<compile_context>
chip_gen: v7x
topology: tpu7x:2x2x1
jax: 0.10.2.dev20260603
libtpu: 0.0.44.dev20260713+nightly
codegen_flags: <defaults>
</compile_context>

<pallas_src>
import functools

import jax
import jax.numpy as jnp
from jax import lax
from jax.experimental import pallas as pl
from jax.experimental.pallas import tpu as pltpu
from jax.experimental.pallas import tpu_sc as plsc

_L = 16
_NW = 32


def _dot_table_body(ev_ref, a_ref, o_ref):
    o_ref[...] = lax.dot_general(
        ev_ref[...],
        a_ref[...],
        dimension_numbers=(((1,), (1,)), ((), ())),
        preferred_element_type=jnp.float32,
    )


def _make_sc_gather(E, P, NN, N):
    CH = NN // _NW
    steps = CH // _L
    rows = CH // N
    mesh = plsc.VectorSubcoreMesh(core_axis_name="c", subcore_axis_name="s")

    @functools.partial(
        pl.kernel,
        mesh=mesh,
        compiler_params=pltpu.CompilerParams(needs_layout_passes=False),
        out_type=jax.ShapeDtypeStruct((N, N), jnp.float32),
        scratch_types=[
            pltpu.VMEM((P * E,), jnp.float32),
            pltpu.VMEM((CH * P,), jnp.int32),
            pltpu.VMEM((rows, N), jnp.float32),
            pltpu.SemaphoreType.DMA,
            pltpu.SemaphoreType.DMA,
        ],
    )
    def sc_gather(tbl_hbm, idx_hbm, out_hbm, tbl_v, idx_v, out_v, sem_a, sem_b):
        wid = lax.axis_index("s") * 2 + lax.axis_index("c")
        tbl_cp = pltpu.async_copy(tbl_hbm.at[pl.ds(0, P * E)], tbl_v, sem_a)
        idx_cps = [
            pltpu.async_copy(
                idx_hbm.at[pl.ds(p * NN + wid * CH, CH)],
                idx_v.at[pl.ds(p * CH, CH)],
                sem_b,
            )
            for p in range(P)
        ]
        for cp in idx_cps:
            cp.wait()
        tbl_cp.wait()

        vecs_per_row = N // _L

        def step(i):
            acc = plsc.load_gather(tbl_v, [idx_v[pl.ds(i * _L, _L)]])
            for p in range(1, P):
                idx = idx_v[pl.ds(p * CH + i * _L, _L)]
                acc = acc + plsc.load_gather(tbl_v, [idx + (p * E)])
            out_v[i // vecs_per_row, pl.ds((i % vecs_per_row) * _L, _L)] = acc

        plsc.parallel_loop(0, steps, 1, unroll=8)(step)
        pltpu.sync_copy(out_v, out_hbm.at[pl.ds(wid * rows, rows)])

    return sc_gather


def kernel(x, edge_attr, edge_paths, edge_vector):
    del x
    E, D = edge_attr.shape
    P = edge_vector.shape[0]
    N = edge_paths.shape[0]
    NN = N * N

    ev8 = jnp.zeros((8, D), jnp.float32).at[:P].set(edge_vector * (1.0 / P))
    eblk = 8192
    tbl = pl.pallas_call(
        _dot_table_body,
        grid=(E // eblk,),
        in_specs=[
            pl.BlockSpec((8, D), lambda i: (0, 0)),
            pl.BlockSpec((eblk, D), lambda i: (i, 0)),
        ],
        out_specs=pl.BlockSpec((8, eblk), lambda i: (0, i)),
        out_shape=jax.ShapeDtypeStruct((8, E), jnp.float32),
    )(ev8, edge_attr)

    sc_gather = _make_sc_gather(E, P, NN, N)
    idx_hop_major = jnp.transpose(edge_paths, (2, 0, 1)).reshape(-1)
    return sc_gather(tbl.reshape(-1), idx_hop_major)

# --- scband reference (transcript-rebuilt; emitter-appended) ---
"""Pipeline reference for scband-edge-encoding-73804718015011 (READ-ONLY COPY).

The authoritative reference and input builder live on the scoring server;
editing this copy changes nothing except your own understanding.
"""

import jax, jax.numpy as jnp
import numpy as np

N = 256
E = 16384
D = 128
P = 5


def setup_inputs(seed: int = 0) -> dict:
    key = jax.random.key(seed)
    k1, k2, k3, k4 = jax.random.split(key, 4)
    x = jax.random.normal(k1, (N, D), dtype=jnp.float32)
    edge_attr = jax.random.normal(k2, (E, D), dtype=jnp.float32)
    # densified edge_paths: every (src,dst) pair has a path of P edge indices, all in-range
    edge_paths = jax.random.randint(k3, (N, N, P), 0, E, dtype=jnp.int32)
    # learned parameter from __init__: edge_vector [max_path_distance, edge_dim]
    edge_vector = jax.random.normal(k4, (P, D), dtype=jnp.float32)
    return {"x": x, "edge_attr": edge_attr, "edge_paths": edge_paths, "edge_vector": edge_vector}


def reference(x, edge_attr, edge_paths, edge_vector):
    # Vectorized translation of the per-(src,dst) loop.
    # valid_mask: path entries must be valid edge indices (all are, given randint fill,
    # but keep the mask for faithfulness to the torch code).
    max_edge_idx = edge_attr.shape[0] - 1
    mask = (edge_paths >= 0) & (edge_paths <= max_edge_idx)  # [N, N, P]
    safe_idx = jnp.where(mask, edge_paths, 0)
    # gather: edge_attr[path]  -> [N, N, P, D]   (dominant memory-bound op)
    feats = jnp.take(edge_attr, safe_idx, axis=0)
    # (weights * edge_feats).sum(dim=1) -> per-hop dot products [N, N, P]
    dots = (edge_vector[None, None, :, :] * feats).sum(axis=-1)
    dots = jnp.where(mask, dots, 0.0)
    cnt = mask.sum(axis=-1)  # [N, N]
    # .mean() over valid hops; 0.0 when path empty
    cij = jnp.where(cnt > 0, dots.sum(axis=-1) / jnp.maximum(cnt, 1).astype(dots.dtype), 0.0)
    return cij

if __name__ == "__main__":
    import jax
    _d = setup_inputs()
    print(jax.jit(kernel)(*tuple(_d.values())))

</pallas_src>

<mosaic_0001>
#map = affine_map<(d0, d1) -> (0)>
#map1 = affine_map<(d0, d1) -> (0, 0)>
module attributes {stable_mosaic.version = 14 : i64} {
  func.func @sc_gather(%arg0: i32, %arg1: i32, %arg2: memref<131072xf32, #tpu.memory_space<hbm>>, %arg3: memref<327680xi32, #tpu.memory_space<hbm>>, %arg4: memref<256x256xf32, #tpu.memory_space<hbm>>, %arg5: memref<81920xf32, #tpu.memory_space<vmem>>, %arg6: memref<10240xi32, #tpu.memory_space<vmem>>, %arg7: memref<8x256xf32, #tpu.memory_space<vmem>>, %arg8: memref<!tpu.dma_semaphore, #tpu.memory_space<semaphore_mem>>, %arg9: memref<!tpu.dma_semaphore, #tpu.memory_space<semaphore_mem>>) attributes {dimension_semantics = [#tpu.dimension_semantics<core_parallel>, #tpu.dimension_semantics<subcore_parallel>], iteration_bounds = array<i64: 2, 16>, scalar_prefetch = 0 : i64, scratch_operands = 5 : i64, tpu.core_type = #tpu.core_type<sc_vector_subcore>, window_params = [{transform_indices = #map}, {transform_indices = #map}, {transform_indices = #map1}]} {
    %mul3A = arith.constant 2 : i32
    %mul3A_0 = arith.muli %arg1, %mul3A : i32
    %add3A = arith.addi %mul3A_0, %arg0 : i32
    %dma_start3A = arith.constant 0 : i32
    %dma_start3A_1 = tpu.memref_slice %arg2[%dma_start3A] : memref<131072xf32, #tpu.memory_space<hbm>> -> memref<81920xf32, #tpu.memory_space<hbm>>
    %dma_start3A_2 = arith.constant 0 : i32
    %dma_start3A_3 = tpu.memref_slice %arg2[%dma_start3A_2] : memref<131072xf32, #tpu.memory_space<hbm>> -> memref<81920xf32, #tpu.memory_space<hbm>>
    tpu.enqueue_dma source(%dma_start3A_3 : memref<81920xf32, #tpu.memory_space<hbm>>) target(%arg5 : memref<81920xf32, #tpu.memory_space<vmem>>) target_semaphore(%arg8 : memref<!tpu.dma_semaphore, #tpu.memory_space<semaphore_mem>>)
    %mul3A_4 = arith.constant 2048 : i32
    %mul3A_5 = arith.muli %add3A, %mul3A_4 : i32
    %add3A_6 = arith.constant 0 : i32
    %add3A_7 = arith.addi %add3A_6, %mul3A_5 : i32
    %dma_start3A_8 = arith.constant 0 : i32
    %dma_start3A_9 = tpu.memref_slice %arg6[%dma_start3A_8] : memref<10240xi32, #tpu.memory_space<vmem>> -> memref<2048xi32, #tpu.memory_space<vmem>>
    %dma_start3A_10 = tpu.memref_slice %arg3[%add3A_7] : memref<327680xi32, #tpu.memory_space<hbm>> -> memref<2048xi32, #tpu.memory_space<hbm>>
    %dma_start3A_11 = arith.constant 0 : i32
    %dma_start3A_12 = tpu.memref_slice %arg6[%dma_start3A_11] : memref<10240xi32, #tpu.memory_space<vmem>> -> memref<2048xi32, #tpu.memory_space<vmem>>
    %dma_start3A_13 = tpu.memref_slice %arg3[%add3A_7] : memref<327680xi32, #tpu.memory_space<hbm>> -> memref<2048xi32, #tpu.memory_space<hbm>>
    tpu.enqueue_dma source(%dma_start3A_13 : memref<2048xi32, #tpu.memory_space<hbm>>) target(%dma_start3A_12 : memref<2048xi32, #tpu.memory_space<vmem>>) target_semaphore(%arg9 : memref<!tpu.dma_semaphore, #tpu.memory_space<semaphore_mem>>)
    %mul3A_14 = arith.constant 2048 : i32
    %mul3A_15 = arith.muli %add3A, %mul3A_14 : i32
    %add3A_16 = arith.constant 65536 : i32
    %add3A_17 = arith.addi %add3A_16, %mul3A_15 : i32
    %dma_start3A_18 = arith.constant 2048 : i32
    %dma_start3A_19 = tpu.memref_slice %arg6[%dma_start3A_18] : memref<10240xi32, #tpu.memory_space<vmem>> -> memref<2048xi32, #tpu.memory_space<vmem>>
    %dma_start3A_20 = tpu.memref_slice %arg3[%add3A_17] : memref<327680xi32, #tpu.memory_space<hbm>> -> memref<2048xi32, #tpu.memory_space<hbm>>
    %dma_start3A_21 = arith.constant 2048 : i32
    %dma_start3A_22 = tpu.memref_slice %arg6[%dma_start3A_21] : memref<10240xi32, #tpu.memory_space<vmem>> -> memref<2048xi32, #tpu.memory_space<vmem>>
    %dma_start3A_23 = tpu.memref_slice %arg3[%add3A_17] : memref<327680xi32, #tpu.memory_space<hbm>> -> memref<2048xi32, #tpu.memory_space<hbm>>
    tpu.enqueue_dma source(%dma_start3A_23 : memref<2048xi32, #tpu.memory_space<hbm>>) target(%dma_start3A_22 : memref<2048xi32, #tpu.memory_space<vmem>>) target_semaphore(%arg9 : memref<!tpu.dma_semaphore, #tpu.memory_space<semaphore_mem>>)
    %mul3A_24 = arith.constant 2048 : i32
    %mul3A_25 = arith.muli %add3A, %mul3A_24 : i32
    %add3A_26 = arith.constant 131072 : i32
    %add3A_27 = arith.addi %add3A_26, %mul3A_25 : i32
    %dma_start3A_28 = arith.constant 4096 : i32
    %dma_start3A_29 = tpu.memref_slice %arg6[%dma_start3A_28] : memref<10240xi32, #tpu.memory_space<vmem>> -> memref<2048xi32, #tpu.memory_space<vmem>>
    %dma_start3A_30 = tpu.memref_slice %arg3[%add3A_27] : memref<327680xi32, #tpu.memory_space<hbm>> -> memref<2048xi32, #tpu.memory_space<hbm>>
    %dma_start3A_31 = arith.constant 4096 : i32
    %dma_start3A_32 = tpu.memref_slice %arg6[%dma_start3A_31] : memref<10240xi32, #tpu.memory_space<vmem>> -> memref<2048xi32, #tpu.memory_space<vmem>>
    %dma_start3A_33 = tpu.memref_slice %arg3[%add3A_27] : memref<327680xi32, #tpu.memory_space<hbm>> -> memref<2048xi32, #tpu.memory_space<hbm>>
    tpu.enqueue_dma source(%dma_start3A_33 : memref<2048xi32, #tpu.memory_space<hbm>>) target(%dma_start3A_32 : memref<2048xi32, #tpu.memory_space<vmem>>) target_semaphore(%arg9 : memref<!tpu.dma_semaphore, #tpu.memory_space<semaphore_mem>>)
    %mul3A_34 = arith.constant 2048 : i32
    %mul3A_35 = arith.muli %add3A, %mul3A_34 : i32
    %add3A_36 = arith.constant 196608 : i32
    %add3A_37 = arith.addi %add3A_36, %mul3A_35 : i32
    %dma_start3A_38 = arith.constant 6144 : i32
    %dma_start3A_39 = tpu.memref_slice %arg6[%dma_start3A_38] : memref<10240xi32, #tpu.memory_space<vmem>> -> memref<2048xi32, #tpu.memory_space<vmem>>
    %dma_start3A_40 = tpu.memref_slice %arg3[%add3A_37] : memref<327680xi32, #tpu.memory_space<hbm>> -> memref<2048xi32, #tpu.memory_space<hbm>>
    %dma_start3A_41 = arith.constant 6144 : i32
    %dma_start3A_42 = tpu.memref_slice %arg6[%dma_start3A_41] : memref<10240xi32, #tpu.memory_space<vmem>> -> memref<2048xi32, #tpu.memory_space<vmem>>
    %dma_start3A_43 = tpu.memref_slice %arg3[%add3A_37] : memref<327680xi32, #tpu.memory_space<hbm>> -> memref<2048xi32, #tpu.memory_space<hbm>>
    tpu.enqueue_dma source(%dma_start3A_43 : memref<2048xi32, #tpu.memory_space<hbm>>) target(%dma_start3A_42 : memref<2048xi32, #tpu.memory_space<vmem>>) target_semaphore(%arg9 : memref<!tpu.dma_semaphore, #tpu.memory_space<semaphore_mem>>)
    %mul3A_44 = arith.constant 2048 : i32
    %mul3A_45 = arith.muli %add3A, %mul3A_44 : i32
    %add3A_46 = arith.constant 262144 : i32
    %add3A_47 = arith.addi %add3A_46, %mul3A_45 : i32
    %dma_start3A_48 = arith.constant 8192 : i32
    %dma_start3A_49 = tpu.memref_slice %arg6[%dma_start3A_48] : memref<10240xi32, #tpu.memory_space<vmem>> -> memref<2048xi32, #tpu.memory_space<vmem>>
    %dma_start3A_50 = tpu.memref_slice %arg3[%add3A_47] : memref<327680xi32, #tpu.memory_space<hbm>> -> memref<2048xi32, #tpu.memory_space<hbm>>
    %dma_start3A_51 = arith.constant 8192 : i32
    %dma_start3A_52 = tpu.memref_slice %arg6[%dma_start3A_51] : memref<10240xi32, #tpu.memory_space<vmem>> -> memref<2048xi32, #tpu.memory_space<vmem>>
    %dma_start3A_53 = tpu.memref_slice %arg3[%add3A_47] : memref<327680xi32, #tpu.memory_space<hbm>> -> memref<2048xi32, #tpu.memory_space<hbm>>
    tpu.enqueue_dma source(%dma_start3A_53 : memref<2048xi32, #tpu.memory_space<hbm>>) target(%dma_start3A_52 : memref<2048xi32, #tpu.memory_space<vmem>>) target_semaphore(%arg9 : memref<!tpu.dma_semaphore, #tpu.memory_space<semaphore_mem>>)
    %dma_wait3A = arith.constant 0 : i32
    %dma_wait3A_54 = tpu.memref_slice %arg6[%dma_wait3A] : memref<10240xi32, #tpu.memory_space<vmem>> -> memref<2048xi32, #tpu.memory_space<vmem>>
    %dma_wait3A_55 = tpu.memref_slice %arg3[%add3A_7] : memref<327680xi32, #tpu.memory_space<hbm>> -> memref<2048xi32, #tpu.memory_space<hbm>>
    %dma_wait3A_56 = arith.constant 0 : i32
    %dma_wait3A_57 = tpu.memref_slice %arg6[%dma_wait3A_56] : memref<10240xi32, #tpu.memory_space<vmem>> -> memref<2048xi32, #tpu.memory_space<vmem>>
    %dma_wait3A_58 = tpu.memref_slice %arg3[%add3A_7] : memref<327680xi32, #tpu.memory_space<hbm>> -> memref<2048xi32, #tpu.memory_space<hbm>>
    tpu.wait_dma2 semaphore(%arg9 : memref<!tpu.dma_semaphore, #tpu.memory_space<semaphore_mem>>) src(%dma_wait3A_58 : memref<2048xi32, #tpu.memory_space<hbm>>) dst(%dma_wait3A_57 : memref<2048xi32, #tpu.memory_space<vmem>>)
    %dma_wait3A_59 = arith.constant 2048 : i32
    %dma_wait3A_60 = tpu.memref_slice %arg6[%dma_wait3A_59] : memref<10240xi32, #tpu.memory_space<vmem>> -> memref<2048xi32, #tpu.memory_space<vmem>>
    %dma_wait3A_61 = tpu.memref_slice %arg3[%add3A_17] : memref<327680xi32, #tpu.memory_space<hbm>> -> memref<2048xi32, #tpu.memory_space<hbm>>
    %dma_wait3A_62 = arith.constant 2048 : i32
    %dma_wait3A_63 = tpu.memref_slice %arg6[%dma_wait3A_62] : memref<10240xi32, #tpu.memory_space<vmem>> -> memref<2048xi32, #tpu.memory_space<vmem>>
    %dma_wait3A_64 = tpu.memref_slice %arg3[%add3A_17] : memref<327680xi32, #tpu.memory_space<hbm>> -> memref<2048xi32, #tpu.memory_space<hbm>>
    tpu.wait_dma2 semaphore(%arg9 : memref<!tpu.dma_semaphore, #tpu.memory_space<semaphore_mem>>) src(%dma_wait3A_64 : memref<2048xi32, #tpu.memory_space<hbm>>) dst(%dma_wait3A_63 : memref<2048xi32, #tpu.memory_space<vmem>>)
    %dma_wait3A_65 = arith.constant 4096 : i32
    %dma_wait3A_66 = tpu.memref_slice %arg6[%dma_wait3A_65] : memref<10240xi32, #tpu.memory_space<vmem>> -> memref<2048xi32, #tpu.memory_space<vmem>>
    %dma_wait3A_67 = tpu.memref_slice %arg3[%add3A_27] : memref<327680xi32, #tpu.memory_space<hbm>> -> memref<2048xi32, #tpu.memory_space<hbm>>
    %dma_wait3A_68 = arith.constant 4096 : i32
    %dma_wait3A_69 = tpu.memref_slice %arg6[%dma_wait3A_68] : memref<10240xi32, #tpu.memory_space<vmem>> -> memref<2048xi32, #tpu.memory_space<vmem>>
    %dma_wait3A_70 = tpu.memref_slice %arg3[%add3A_27] : memref<327680xi32, #tpu.memory_space<hbm>> -> memref<2048xi32, #tpu.memory_space<hbm>>
    tpu.wait_dma2 semaphore(%arg9 : memref<!tpu.dma_semaphore, #tpu.memory_space<semaphore_mem>>) src(%dma_wait3A_70 : memref<2048xi32, #tpu.memory_space<hbm>>) dst(%dma_wait3A_69 : memref<2048xi32, #tpu.memory_space<vmem>>)
    %dma_wait3A_71 = arith.constant 6144 : i32
    %dma_wait3A_72 = tpu.memref_slice %arg6[%dma_wait3A_71] : memref<10240xi32, #tpu.memory_space<vmem>> -> memref<2048xi32, #tpu.memory_space<vmem>>
    %dma_wait3A_73 = tpu.memref_slice %arg3[%add3A_37] : memref<327680xi32, #tpu.memory_space<hbm>> -> memref<2048xi32, #tpu.memory_space<hbm>>
    %dma_wait3A_74 = arith.constant 6144 : i32
    %dma_wait3A_75 = tpu.memref_slice %arg6[%dma_wait3A_74] : memref<10240xi32, #tpu.memory_space<vmem>> -> memref<2048xi32, #tpu.memory_space<vmem>>
    %dma_wait3A_76 = tpu.memref_slice %arg3[%add3A_37] : memref<327680xi32, #tpu.memory_space<hbm>> -> memref<2048xi32, #tpu.memory_space<hbm>>
    tpu.wait_dma2 semaphore(%arg9 : memref<!tpu.dma_semaphore, #tpu.memory_space<semaphore_mem>>) src(%dma_wait3A_76 : memref<2048xi32, #tpu.memory_space<hbm>>) dst(%dma_wait3A_75 : memref<2048xi32, #tpu.memory_space<vmem>>)
    %dma_wait3A_77 = arith.constant 8192 : i32
    %dma_wait3A_78 = tpu.memref_slice %arg6[%dma_wait3A_77] : memref<10240xi32, #tpu.memory_space<vmem>> -> memref<2048xi32, #tpu.memory_space<vmem>>
    %dma_wait3A_79 = tpu.memref_slice %arg3[%add3A_47] : memref<327680xi32, #tpu.memory_space<hbm>> -> memref<2048xi32, #tpu.memory_space<hbm>>
    %dma_wait3A_80 = arith.constant 8192 : i32
    %dma_wait3A_81 = tpu.memref_slice %arg6[%dma_wait3A_80] : memref<10240xi32, #tpu.memory_space<vmem>> -> memref<2048xi32, #tpu.memory_space<vmem>>
    %dma_wait3A_82 = tpu.memref_slice %arg3[%add3A_47] : memref<327680xi32, #tpu.memory_space<hbm>> -> memref<2048xi32, #tpu.memory_space<hbm>>
    tpu.wait_dma2 semaphore(%arg9 : memref<!tpu.dma_semaphore, #tpu.memory_space<semaphore_mem>>) src(%dma_wait3A_82 : memref<2048xi32, #tpu.memory_space<hbm>>) dst(%dma_wait3A_81 : memref<2048xi32, #tpu.memory_space<vmem>>)
    %dma_wait3A_83 = arith.constant 0 : i32
    %dma_wait3A_84 = tpu.memref_slice %arg2[%dma_wait3A_83] : memref<131072xf32, #tpu.memory_space<hbm>> -> memref<81920xf32, #tpu.memory_space<hbm>>
    %dma_wait3A_85 = arith.constant 0 : i32
    %dma_wait3A_86 = tpu.memref_slice %arg2[%dma_wait3A_85] : memref<131072xf32, #tpu.memory_space<hbm>> -> memref<81920xf32, #tpu.memory_space<hbm>>
    tpu.wait_dma2 semaphore(%arg8 : memref<!tpu.dma_semaphore, #tpu.memory_space<semaphore_mem>>) src(%dma_wait3A_86 : memref<81920xf32, #tpu.memory_space<hbm>>) dst(%arg5 : memref<81920xf32, #tpu.memory_space<vmem>>)
    %parallel_loop3A = arith.constant 0 : i32
    %parallel_loop3A_87 = arith.constant 128 : i32
    %parallel_loop3A_88 = arith.constant 1 : i32
    scf.for %parallel_loop3A_91 = %parallel_loop3A to %parallel_loop3A_87 step %parallel_loop3A_88  : i32 {
      %parallel_loop3A_92 = arith.constant 16 : i32
      %parallel_loop3A_93 = arith.muli %parallel_loop3A_91, %parallel_loop3A_92 : i32
      %parallel_loop3A_94 = arith.index_cast %parallel_loop3A_93 : i32 to index
      %parallel_loop3A_95 = tpu.vector_load %arg6[%parallel_loop3A_94] {strides = array<i32>} : memref<10240xi32, #tpu.memory_space<vmem>>, vector<16xi32>,
      %parallel_loop3A_96 = tpu.vector_load_idx %arg5[%parallel_loop3A_95] : memref<81920xf32, #tpu.memory_space<vmem>>[vector<16xi32>], vector<16xf32>,
      %parallel_loop3A_97 = arith.constant 16 : i32
      %parallel_loop3A_98 = arith.muli %parallel_loop3A_91, %parallel_loop3A_97 : i32
      %parallel_loop3A_99 = arith.constant 2048 : i32
      %parallel_loop3A_100 = arith.addi %parallel_loop3A_99, %parallel_loop3A_98 : i32
      %parallel_loop3A_101 = arith.index_cast %parallel_loop3A_100 : i32 to index
      %parallel_loop3A_102 = tpu.vector_load %arg6[%parallel_loop3A_101] {strides = array<i32>} : memref<10240xi32, #tpu.memory_space<vmem>>, vector<16xi32>,
      %parallel_loop3A_103 = arith.constant 16384 : i32
      %parallel_loop3A_104 = vector.broadcast %parallel_loop3A_103 : i32 to vector<16xi32>
      %parallel_loop3A_105 = arith.addi %parallel_loop3A_102, %parallel_loop3A_104 : vector<16xi32>
      %parallel_loop3A_106 = tpu.vector_load_idx %arg5[%parallel_loop3A_105] : memref<81920xf32, #tpu.memory_space<vmem>>[vector<16xi32>], vector<16xf32>,
      %parallel_loop3A_107 = arith.addf %parallel_loop3A_96, %parallel_loop3A_106 : vector<16xf32>
      %parallel_loop3A_108 = arith.constant 16 : i32
      %parallel_loop3A_109 = arith.muli %parallel_loop3A_91, %parallel_loop3A_108 : i32
      %parallel_loop3A_110 = arith.constant 4096 : i32
      %parallel_loop3A_111 = arith.addi %parallel_loop3A_110, %parallel_loop3A_109 : i32
      %parallel_loop3A_112 = arith.index_cast %parallel_loop3A_111 : i32 to index
      %parallel_loop3A_113 = tpu.vector_load %arg6[%parallel_loop3A_112] {strides = array<i32>} : memref<10240xi32, #tpu.memory_space<vmem>>, vector<16xi32>,
      %parallel_loop3A_114 = arith.constant 32768 : i32
      %parallel_loop3A_115 = vector.broadcast %parallel_loop3A_114 : i32 to vector<16xi32>
      %parallel_loop3A_116 = arith.addi %parallel_loop3A_113, %parallel_loop3A_115 : vector<16xi32>
      %parallel_loop3A_117 = tpu.vector_load_idx %arg5[%parallel_loop3A_116] : memref<81920xf32, #tpu.memory_space<vmem>>[vector<16xi32>], vector<16xf32>,
      %parallel_loop3A_118 = arith.addf %parallel_loop3A_107, %parallel_loop3A_117 : vector<16xf32>
      %parallel_loop3A_119 = arith.constant 16 : i32
      %parallel_loop3A_120 = arith.muli %parallel_loop3A_91, %parallel_loop3A_119 : i32
      %parallel_loop3A_121 = arith.constant 6144 : i32
      %parallel_loop3A_122 = arith.addi %parallel_loop3A_121, %parallel_loop3A_120 : i32
      %parallel_loop3A_123 = arith.index_cast %parallel_loop3A_122 : i32 to index
      %parallel_loop3A_124 = tpu.vector_load %arg6[%parallel_loop3A_123] {strides = array<i32>} : memref<10240xi32, #tpu.memory_space<vmem>>, vector<16xi32>,
      %parallel_loop3A_125 = arith.constant 49152 : i32
      %parallel_loop3A_126 = vector.broadcast %parallel_loop3A_125 : i32 to vector<16xi32>
      %parallel_loop3A_127 = arith.addi %parallel_loop3A_124, %parallel_loop3A_126 : vector<16xi32>
      %parallel_loop3A_128 = tpu.vector_load_idx %arg5[%parallel_loop3A_127] : memref<81920xf32, #tpu.memory_space<vmem>>[vector<16xi32>], vector<16xf32>,
      %parallel_loop3A_129 = arith.addf %parallel_loop3A_118, %parallel_loop3A_128 : vector<16xf32>
      %parallel_loop3A_130 = arith.constant 16 : i32
      %parallel_loop3A_131 = arith.muli %parallel_loop3A_91, %parallel_loop3A_130 : i32
      %parallel_loop3A_132 = arith.constant 8192 : i32
      %parallel_loop3A_133 = arith.addi %parallel_loop3A_132, %parallel_loop3A_131 : i32
      %parallel_loop3A_134 = arith.index_cast %parallel_loop3A_133 : i32 to index
      %parallel_loop3A_135 = tpu.vector_load %arg6[%parallel_loop3A_134] {strides = array<i32>} : memref<10240xi32, #tpu.memory_space<vmem>>, vector<16xi32>,
      %parallel_loop3A_136 = arith.constant 65536 : i32
      %parallel_loop3A_137 = vector.broadcast %parallel_loop3A_136 : i32 to vector<16xi32>
      %parallel_loop3A_138 = arith.addi %parallel_loop3A_135, %parallel_loop3A_137 : vector<16xi32>
      %parallel_loop3A_139 = tpu.vector_load_idx %arg5[%parallel_loop3A_138] : memref<81920xf32, #tpu.memory_space<vmem>>[vector<16xi32>], vector<16xf32>,
      %parallel_loop3A_140 = arith.addf %parallel_loop3A_129, %parallel_loop3A_139 : vector<16xf32>
      %parallel_loop3A_141 = arith.constant 16 : i32
      %parallel_loop3A_142 = arith.divsi %parallel_loop3A_91, %parallel_loop3A_141 : i32
      %parallel_loop3A_143 = arith.constant 0 : i32
      %parallel_loop3A_144 = arith.cmpi sgt, %parallel_loop3A_91, %parallel_loop3A_143 : i32
      %parallel_loop3A_145 = arith.extui %parallel_loop3A_144 : i1 to i32
      %parallel_loop3A_146 = arith.constant 0 : i32
      %parallel_loop3A_147 = arith.cmpi slt, %parallel_loop3A_91, %parallel_loop3A_146 : i32
      %parallel_loop3A_148 = arith.extui %parallel_loop3A_147 : i1 to i32
      %parallel_loop3A_149 = arith.subi %parallel_loop3A_145, %parallel_loop3A_148 : i32
      %parallel_loop3A_150 = arith.constant 0 : i32
      %parallel_loop3A_151 = arith.cmpi sgt, %parallel_loop3A_141, %parallel_loop3A_150 : i32
      %parallel_loop3A_152 = arith.extui %parallel_loop3A_151 : i1 to i32
      %parallel_loop3A_153 = arith.constant 0 : i32
      %parallel_loop3A_154 = arith.cmpi slt, %parallel_loop3A_141, %parallel_loop3A_153 : i32
      %parallel_loop3A_155 = arith.extui %parallel_loop3A_154 : i1 to i32
      %parallel_loop3A_156 = arith.subi %parallel_loop3A_152, %parallel_loop3A_155 : i32
      %parallel_loop3A_157 = arith.cmpi ne, %parallel_loop3A_149, %parallel_loop3A_156 : i32
      %parallel_loop3A_158 = arith.remsi %parallel_loop3A_91, %parallel_loop3A_141 : i32
      %parallel_loop3A_159 = arith.constant 0 : i32
      %parallel_loop3A_160 = arith.cmpi ne, %parallel_loop3A_158, %parallel_loop3A_159 : i32
      %parallel_loop3A_161 = arith.andi %parallel_loop3A_157, %parallel_loop3A_160 : i1
      %parallel_loop3A_162 = arith.constant 1 : i32
      %parallel_loop3A_163 = arith.subi %parallel_loop3A_142, %parallel_loop3A_162 : i32
      %parallel_loop3A_164 = arith.select %parallel_loop3A_161, %parallel_loop3A_163, %parallel_loop3A_142 : i32
      %parallel_loop3A_165 = arith.constant 16 : i32
      %parallel_loop3A_166 = arith.constant 0 : i32
      %parallel_loop3A_167 = arith.cmpi eq, %parallel_loop3A_165, %parallel_loop3A_166 : i32
      %parallel_loop3A_168 = arith.constant 1 : i32
      %parallel_loop3A_169 = arith.select %parallel_loop3A_167, %parallel_loop3A_168, %parallel_loop3A_165 : i32
      %parallel_loop3A_170 = arith.remsi %parallel_loop3A_91, %parallel_loop3A_169 : i32
      %parallel_loop3A_171 = arith.constant 0 : i32
      %parallel_loop3A_172 = arith.cmpi ne, %parallel_loop3A_170, %parallel_loop3A_171 : i32
      %parallel_loop3A_173 = arith.constant 0 : i32
      %parallel_loop3A_174 = arith.cmpi slt, %parallel_loop3A_170, %parallel_loop3A_173 : i32
      %parallel_loop3A_175 = arith.constant 0 : i32
      %parallel_loop3A_176 = arith.cmpi slt, %parallel_loop3A_169, %parallel_loop3A_175 : i32
      %parallel_loop3A_177 = arith.xori %parallel_loop3A_174, %parallel_loop3A_176 : i1
      %parallel_loop3A_178 = arith.andi %parallel_loop3A_177, %parallel_loop3A_172 : i1
      %parallel_loop3A_179 = arith.addi %parallel_loop3A_170, %parallel_loop3A_169 : i32
      %parallel_loop3A_180 = arith.select %parallel_loop3A_178, %parallel_loop3A_179, %parallel_loop3A_170 : i32
      %parallel_loop3A_181 = arith.constant 16 : i32
      %parallel_loop3A_182 = arith.muli %parallel_loop3A_180, %parallel_loop3A_181 : i32
      %parallel_loop3A_183 = arith.index_cast %parallel_loop3A_164 : i32 to index
      %parallel_loop3A_184 = arith.index_cast %parallel_loop3A_182 : i32 to index
      %parallel_loop3A_185 = tpu.vector_load %arg7[%parallel_loop3A_183, %parallel_loop3A_184] {strides = array<i32>} : memref<8x256xf32, #tpu.memory_space<vmem>>, vector<16xf32>,
      tpu.vector_store %arg7[%parallel_loop3A_183, %parallel_loop3A_184], %parallel_loop3A_140 {strides = array<i32>} : memref<8x256xf32, #tpu.memory_space<vmem>>, vector<16xf32>,
    } {sc.loop_unroll_factor = 8 : i64, sc.parallel_access}
    %mul3A_89 = arith.constant 8 : i32
    %mul3A_90 = arith.muli %add3A, %mul3A_89 : i32
    "tpu.region"() ({
      %run_scoped3A = tpu.sem_alloc : memref<!tpu.dma_semaphore, #tpu.memory_space<semaphore_mem>>
      %dma_start3A_91 = arith.constant 0 : i32
      %dma_start3A_92 = tpu.memref_slice %arg4[%mul3A_90, %dma_start3A_91] : memref<256x256xf32, #tpu.memory_space<hbm>> -> memref<8x256xf32, #tpu.memory_space<hbm>>
      %dma_start3A_93 = arith.constant 0 : i32
      %dma_start3A_94 = tpu.memref_slice %arg4[%mul3A_90, %dma_start3A_93] : memref<256x256xf32, #tpu.memory_space<hbm>> -> memref<8x256xf32, #tpu.memory_space<hbm>>
      tpu.enqueue_dma source(%arg7 : memref<8x256xf32, #tpu.memory_space<vmem>>) target(%dma_start3A_94 : memref<8x256xf32, #tpu.memory_space<hbm>>) target_semaphore(%run_scoped3A : memref<!tpu.dma_semaphore, #tpu.memory_space<semaphore_mem>>)
      %dma_wait3A_95 = arith.constant 0 : i32
      %dma_wait3A_96 = tpu.memref_slice %arg4[%mul3A_90, %dma_wait3A_95] : memref<256x256xf32, #tpu.memory_space<hbm>> -> memref<8x256xf32, #tpu.memory_space<hbm>>
      %dma_wait3A_97 = arith.constant 0 : i32
      %dma_wait3A_98 = tpu.memref_slice %arg4[%mul3A_90, %dma_wait3A_97] : memref<256x256xf32, #tpu.memory_space<hbm>> -> memref<8x256xf32, #tpu.memory_space<hbm>>
      tpu.wait_dma2 semaphore(%run_scoped3A : memref<!tpu.dma_semaphore, #tpu.memory_space<semaphore_mem>>) src(%arg7 : memref<8x256xf32, #tpu.memory_space<vmem>>) dst(%dma_wait3A_98 : memref<8x256xf32, #tpu.memory_space<hbm>>)
      tpu.yield
    }) : () -> ()
    return
  }
}

module attributes {stable_mosaic.version = 14 : i64} {
  func.func @_dot_table_body(%arg0: i32, %arg1: memref<8x128xf32, #tpu.memory_space<vmem>>, %arg2: memref<8192x128xf32, #tpu.memory_space<vmem>>, %arg3: memref<8x8192xf32, #tpu.memory_space<vmem>>) attributes {dimension_semantics = [#tpu.dimension_semantics<arbitrary>], iteration_bounds = array<i64: 2>, scalar_prefetch = 0 : i64, scratch_operands = 0 : i64, tpu.core_type = #tpu.core_type<tc>, window_params = [{pipeline_mode = #tpu.pipeline_mode<synchronous>, transform_indices = @transform_0, window_bounds = array<i64: 8, 128>}, {transform_indices = @transform_1, window_bounds = array<i64: 8192, 128>}, {transform_indices = @transform_2, window_bounds = array<i64: 8, 8192>}]} {
    %get3A = arith.constant 0 : index
    %get3A_0 = arith.constant 0 : index
    %get3A_1 = vector.load %arg1[%get3A, %get3A_0] : memref<8x128xf32, #tpu.memory_space<vmem>>, vector<8x128xf32>
    %get3A_2 = arith.constant 0 : index
    %get3A_3 = arith.constant 0 : index
    %get3A_4 = vector.load %arg2[%get3A_2, %get3A_3] : memref<8192x128xf32, #tpu.memory_space<vmem>>, vector<8192x128xf32>
    %dot_general3A = arith.constant dense<0.000000e+00> : vector<8x8192xf32>
    %dot_general3A_5 = tpu.matmul %get3A_1, %get3A_4, %dot_general3A {dimension_numbers = #tpu.dot_dimension_numbers<[1], [1], [0], [0], [0, 0, 1, 0], [], []>, transpose_lhs_hint = false} : vector<8x128xf32>, vector<8192x128xf32>, vector<8x8192xf32> -> vector<8x8192xf32>
    %swap3A = arith.constant 0 : index
    %swap3A_6 = arith.constant 0 : index
    %swap3A_7 = vector.load %arg3[%swap3A, %swap3A_6] : memref<8x8192xf32, #tpu.memory_space<vmem>>, vector<8x8192xf32>
    tpu.vector_store %arg3[%swap3A, %swap3A_6], %dot_general3A_5 {strides = array<i32>} : memref<8x8192xf32, #tpu.memory_space<vmem>>, vector<8x8192xf32>,
    return
  }
  func.func @transform_0(%arg0: i32) -> (i32, i32) {
    %c0_i32 = arith.constant 0 : i32
    %c0_i32_0 = arith.constant 0 : i32
    %c0_i32_1 = arith.constant 0 : i32
    return %c0_i32, %c0_i32_0 : i32, i32
  }
  func.func @transform_1(%arg0: i32) -> (i32, i32) {
    %c0_i32 = arith.constant 0 : i32
    %c0_i32_0 = arith.constant 0 : i32
    return %arg0, %c0_i32 : i32, i32
  }
  func.func @transform_2(%arg0: i32) -> (i32, i32) {
    %c0_i32 = arith.constant 0 : i32
    %c0_i32_0 = arith.constant 0 : i32
    return %c0_i32, %arg0 : i32, i32
  }
}

</mosaic_0001>

<sc_bundles>
// kernel: kernel.4.cloned.1.call-start
scs
__scs_entry_jumppad:
0x0: {  	(pc) =	sbr.rel $0x88, $3  }
0x1: {  	(tag) =	ssettag $0x0;
	lr =	simm.s32 $0x1  }
0x2: {  	[smem:$0x3F9E] =	sst lr;
	_ =	strace $0xD0000000  }
0x3: {  	_ = 	snop  }
0x4: {  	_ = 	snop  }
0x5: {  	_ = 	snop  }
0x6: {  	_ = 	snop  }
0x7: {  	_ = 	snop  }
__scs_overlays_trampoline_lowered:
0x8: {  	[smem:$0x3FAD] =	sst s0  }
0x9: {  	[smem:$0x3FAE] =	sst s1  }
0xa: {  	[smem:$0x3FAF] =	sst s2  }
0xb: {  	[smem:$0x3FB0] =	sst s3  }
0xc: {  	[smem:$0x3FB1] =	sst s4  }
0xd: {  	[smem:$0x3FB2] =	sst s5  }
0xe: {  	[smem:$0x3FB3] =	sst s6  }
0xf: {  	[smem:$0x3FB4] =	sst s7  }
0x10: {  	[smem:$0x3FB5] =	sst s8  }
0x11: {  	[smem:$0x3FB6] =	sst s9;
	s0 =	simm.s32 @!p0 $0x0  }
0x12: {  	s1 =	sld [smem:$0x3F9C];
	s0 =	simm.s32 @p0 $0x1  }
0x13: {  	[smem:$0x3FB7] =	sst s0;
	s0 =	simm.s32 @!p1 $0x0  }
0x14: {  	s2 =	sld [smem:$0x3F9B];
	s0 =	simm.s32 @p1 $0x1  }
0x15: {  	[smem:$0x3FB8] =	sst s0;
	s0 =	simm.s32 @!p2 $0x0  }
0x16: {  	s3 =	sld [smem:$0x3FDB];
	s0 =	simm.s32 @p2 $0x1  }
0x17: {  	s4 =	simm.s32 $0x1BF5;
	[smem:$0x3FBA] =	sst s0  }
0x18: {  	s0 =	sld [smem:$0x3F9D];
	_ =	swait.ge [sflag:s4], $0x0  }
0x19: {  	s7 =	sld [smem:$0x3F9E]  }
0x1a: {  	s8 =	sadd.s32 $0xFFFFE003, lr  }
0x1b: {  	s9 =	sadd.s32 $0xFFFFFEF7, lr;
	s5 =	simm.s32 $0xFFFFFFFF;
	p2 =	slt.u32 s8, $0xFFFFF086  }
0x1c: {  	p1 =	slt.u32 s9, $0xF7A;
	s5 =	simm.s32 @!p2 $0x0  }
0x1d: {  	s5 =	simm.s32 @p1 $0x1;
	p0 =	seq.s32 s7, s2  }
0x1e: {  	s7 =	smul.u32 @!p0 $0xF7A, s2;
	p2 =	seq.s32 @!p0 s5, $0x0  }
0x1f: {  	s9 =	smul.u32 $0xF7A, s1;
	s8 =	simm.s32 @!p0 $0x1BF5;
	p2 =	por !p2, p0  }
0x20: {  	[sflag:s8] =	ssyncset.s32 @!p0 $0xFFFFF086;
	s6 =	sadd.s32 @!p0 s3, s7;
	s7 =	simm.s32 @!p0 $0x108  }
0x21: {  	s3 =	sadd.s32 s3, s9;
	s6 =	sadd.s32 @!p0 $0x88, s6;
	s7 =	simm.s32 @p2 $0x1082  }
0x22: {  	[simem:s7], [sflag:s8] =	dma.local @!p0 [hbm:s6], $0xF7A  }
0x23: {  	s9 =	sor.u32 $0xD0000000, s2;
	s6 =	simm.s32 $0x108;
	_ =	swait.ge @!p0 [sflag:s8], $0x0  }
0x24: {  	s3 =	sadd.s32 $0x88, s3;
	s6 =	simm.s32 @!p1 $0x1082;
	[sflag:s4] =	ssyncset.s32 $0xFFFFF086  }
0x25: {  	[simem:s6], [sflag:s4] =	dma.local [hbm:s3], $0xF7A  }
0x26: {  	[smem:$0x3F9E] =	sst s1;
	(tag) =	ssettag s2;
	_ =	strace s9  }
0x27: {  	s1 =	sld [smem:$0x3FAE]  }
0x28: {  	s2 =	sld [smem:$0x3FAF]  }
0x29: {  	s4 =	sld [smem:$0x3FB1]  }
0x2a: {  	p0 =	seq.s32 s5, $0x0;
	s5 =	sld [smem:$0x3FB2]  }
0x2b: {  	s6 =	sld [smem:$0x3FB3]  }
0x2c: {  	s7 =	sld [smem:$0x3FB4]  }
0x2d: {  	s3 =	simm.s32 $0x108;
	s8 =	sld [smem:$0x3FB5]  }
0x2e: {  	s3 =	simm.s32 @!p0 $0x1082;
	s9 =	sld [smem:$0x3FB6]  }
0x2f: {  	lr =	sadd.s32 s0, s3;
	s0 =	sld [smem:$0x3FAD]  }
0x30: {  	s3 =	sld [smem:$0x3FB0]  }
0x31: {  	[smem:$0x3FB9] =	sst s10  }
0x32: {  	s10 =	sld [smem:$0x3FB7];
	_ =	sdelay $0x3  }
0x33: {  	p0 =	seq.s32 s10, $0x1;
	s10 =	sld [smem:$0x3FB9];
	_ =	sdelay $0x3  }
0x34: {  	[smem:$0x3FB9] =	sst s10  }
0x35: {  	s10 =	sld [smem:$0x3FB8];
	_ =	sdelay $0x3  }
0x36: {  	p1 =	seq.s32 s10, $0x1;
	s10 =	sld [smem:$0x3FB9];
	_ =	sdelay $0x3  }
0x37: {  	[smem:$0x3FB9] =	sst s10  }
0x38: {  	s10 =	sld [smem:$0x3FBA]  }
0x39: {  	_ = 	snop;
	(pc) =	sbr.ind lr, $3  }
0x3a: {  	_ = 	snop  }
0x3b: {  	_ = 	snop  }
0x3c: {  	p2 =	seq.s32 s10, $0x1;
	s10 =	sld [smem:$0x3FB9]  }
0x3d: {  	_ =	shalt  }
0x3e: {  	_ =	shalt  }
0x3f: {  	_ =	shalt  }
0x40: {  	_ =	shalt  }
0x41: {  	_ =	shalt  }
0x42: {  	_ =	shalt  }
0x43: {  	_ =	shalt  }
0x44: {  	_ =	shalt  }
0x45: {  	_ =	shalt  }
0x46: {  	_ =	shalt  }
0x47: {  	_ =	shalt  }
0x48: {  	_ =	shalt  }
0x49: {  	_ =	shalt  }
0x4a: {  	_ =	shalt  }
0x4b: {  	_ =	shalt  }
0x4c: {  	_ =	shalt  }
0x4d: {  	_ =	shalt  }
0x4e: {  	_ =	shalt  }
0x4f: {  	_ =	shalt  }
0x50: {  	_ =	shalt  }
0x51: {  	_ =	shalt  }
0x52: {  	_ =	shalt  }
0x53: {  	_ =	shalt  }
0x54: {  	_ =	shalt  }
0x55: {  	_ =	shalt  }
0x56: {  	_ =	shalt  }
0x57: {  	_ =	shalt  }
0x58: {  	_ =	shalt  }
0x59: {  	_ =	shalt  }
0x5a: {  	_ =	shalt  }
0x5b: {  	_ =	shalt  }
0x5c: {  	_ =	shalt  }
0x5d: {  	_ =	shalt  }
0x5e: {  	_ =	shalt  }
0x5f: {  	_ =	shalt  }
0x60: {  	_ =	shalt  }
0x61: {  	_ =	shalt  }
0x62: {  	_ =	shalt  }
0x63: {  	_ =	shalt  }
0x64: {  	_ =	shalt  }
0x65: {  	_ =	shalt  }
0x66: {  	_ =	shalt  }
0x67: {  	_ =	shalt  }
0x68: {  	_ =	shalt  }
0x69: {  	_ =	shalt  }
0x6a: {  	_ =	shalt  }
0x6b: {  	_ =	shalt  }
0x6c: {  	_ =	shalt  }
0x6d: {  	_ =	shalt  }
0x6e: {  	_ =	shalt  }
0x6f: {  	_ =	shalt  }
0x70: {  	_ =	shalt  }
0x71: {  	_ =	shalt  }
0x72: {  	_ =	shalt  }
0x73: {  	_ =	shalt  }
0x74: {  	_ =	shalt  }
0x75: {  	_ =	shalt  }
0x76: {  	_ =	shalt  }
0x77: {  	_ =	shalt  }
0x78: {  	_ =	shalt  }
0x79: {  	_ =	shalt  }
0x7a: {  	_ =	shalt  }
0x7b: {  	_ =	shalt  }
0x7c: {  	_ =	shalt  }
0x7d: {  	_ =	shalt  }
0x7e: {  	_ =	shalt  }
0x7f: {  	_ =	shalt  }
0x80: {  	_ =	shalt  }
0x81: {  	_ =	shalt  }
0x82: {  	_ =	shalt  }
0x83: {  	_ =	shalt  }
0x84: {  	_ =	shalt  }
0x85: {  	_ =	shalt  }
0x86: {  	_ =	shalt  }
0x87: {  	_ =	shalt  }
.Lfunc_end0:
.L_simem_size_0:
called_computation_lowered:
.L_overlay_start_0:
0x88: {  	s2 =	sld [smem:$0x3FD9]  }
0x89: {  	s3 =	sld [smem:$0x3FFE];
	_ =	sdelay $0x1  }
0x8a: {  	s1 =	srdreg.scid  }
0x8b: {  	s0 =	sand.u32 $0x1, s1  }
0x8c: {  	s17 =	sshll.u32 s0, $0xA;
	s2 =	sadd.s32 s3, s2  }
0x8d: {  	s2 =	sadd.s32 s2, s17  }
0x8e: {  	[smem:$0x3FC5] =	sst s2  }
0x8f: {  	_ = 	snop  }
0x90: {  	s2 =	sld [smem:$0x3FD0];
	(tm) =	ssettm $0x1  }
0x91: {  	s18 =	sld [smem:$0x3FFB];
	_ =	sdelay $0x3  }
0x92: {  	_ =	strace s18  }
0x93: {  	s3 =	sld [smem:$0x3FFC];
	_ =	sdelay $0x3  }
0x94: {  	_ =	strace s3  }
0x95: {  	s3 =	sld [smem:$0x3FFD];
	_ =	sdelay $0x3  }
0x96: {  	_ =	strace s3  }
0x97: {  	_ =	strace $0x8FFFFFFF  }
0x98: {  	s19 =	sld [smem:$0x3FDB];
	_ =	sdelay $0x1  }
0x99: {  	s4 =	simm.s32 $_scs_section_size  }
0x9a: {  	s5 =	simm.s32 $_size__tile_overlayer_lowered;
	s6 =	simm.s32 $_tile_overlayer_lowered  }
0x9b: {  	s22 =	simm.s32 $0x1BFF;
	s21 =	sshll.u32 s6, $0x1;
	s3 =	sadd.s32 s4, s19  }
0x9c: {  	s7 =	simm.s32 $0x0;
	s20 =	sshll.u32 s5, $0x1;
	s5 =	sadd.s32 s21, s3  }
0x9d: {  	[timem:s7], [sflag:s22] =	dma.local [hbm:s5], s20  }
0x9e: {  	_ =	swait.ge [sflag:s22], s20  }
0x9f: {  	s4 =	ssub.s32 $0x0, s20;
	[sflag:s22] =	ssyncset.done $0x0  }
0xa0: {  	[sflag:s22] =	ssyncadd.s32 s4;
	_ =	sdelay $0x1  }
0xa1: {  	s23 =	simm.s32 $0x1B8B  }
0xa2: {  	_ =	swait.ge [sflag:s23], $0x1  }
0xa3: {  	[sflag:s23] =	ssyncset.done $0x0  }
0xa4: {  	s25 =	simm.s32 $0x1B8E;
	s24 =	sld [smem:$0x3FFE];
	[sflag:s23] =	ssyncadd.s32 $0xFFFFFFFF  }
0xa5: {  	s26 =	simm.s32 $execute0_lowered;
	[smem:$0x3FD2] =	sst s25  }
0xa6: {  	s5 =	sshll.u32 s26, $0x1;
	_ =	strace $0x80000046;
	[dreg:$0x1] =	wrdreg $0xFFFFFFFF  }
0xa7: {  	s28 =	simm.s32 $_size_execute0_lowered;
	s3 =	sadd.s32 s3, s5;
	[dreg:$0x0] =	wrdreg $0x0  }
0xa8: {  	s5 =	sshll.u32 s28, $0x1;
	[dreg:$0x2] =	wrdreg s3  }
0xa9: {  	[dreg:$0x3] =	wrdreg s5  }
0xaa: {  	[dreg:$0x4] =	wrdreg $0xC0  }
0xab: {  	_ =	task [dreg:s7], $0x5FFFF  }
0xac: {  	[dreg:$0x1] =	wrdreg $0xFFFFFFFF  }
0xad: {  	[dreg:$0x0] =	wrdreg $0x60  }
0xae: {  	[dreg:$0x2] =	wrdreg s24  }
0xaf: {  	[dreg:$0x3] =	wrdreg s2  }
0xb0: {  	[dreg:$0x4] =	wrdreg $0x9  }
0xb1: {  	_ =	task.clear_ibuf [dreg:s7], $0x5FFFF;
	_ =	strace $0x90000046  }
0xb2: {  	s29 =	simm.s32 $0x9;
	_ =	strace $0x80000048  }
0xb3: {  	_ =	swait.ge [sflag:s29], $0x1  }
0xb4: {  	[sflag:s29] =	ssyncadd.s32 $0xFFFFFFFF  }
0xb5: {  	_ =	strace $0x90000048  }
0xb6: {  	_ =	sfence  }
0xb7: {  	s30 =	sld [smem:$0x0];
	_ =	sdelay $0x2  }
0xb8: {  	s31 =	sshll.u32 s1, $0xD;
	s1 =	sshrl.u32 s1, $0x2  }
0xb9: {  	s3 =	sand.u32 $0x4000, s31;
	s1 =	sadd.s32 s1, s30  }
0xba: {  	s0 =	sor.u32 s3, s0;
	s1 =	sshll.u32 s1, $0x11  }
0xbb: {  	s0 =	sor.u32 s1, s0  }
0xbc: {  	s0 =	sadd.s32 $0x8F2B, s0  }
0xbd: {  	[sflag:s0] =	ssyncadd.remote.s32 $0x1  }
0xbe: {  	_ =	sfence.sel $0xFFFF  }
0xbf: {  	[dreg:$0x0] =	wrdreg $0xFFFFFFFF;
	(pc) =	sbr.abs _section_cstart, $3  }
0xc0: {  	[dreg:$0x1] =	wrdreg $0xFFFFFFFF  }
0xc1: {  	_ =	task.clear_ibuf [dreg:s7], $0x2FFFF;
	_ =	strace $0x9FFFFFFF  }
0xc2: {  	(tm) =	ssettm $0x7FFFFFFF  }
0xc3: {  	_ =	shalt  }
tec
execute0_lowered:
.L_overlay_start_1:
0x0: {  	(tag) =	ssettag $0x1  }
0x1: {  	s4 =	rddreg [dreg:$0x0]  }
0x2: {  	s9 =	rddreg [dreg:$0x1]  }
0x3: {  	s0 =	rddreg [dreg:$0x2];
	s3 =	srdreg.scid  }
0x4: {  	s2 =	simm.s32 $0x0;
	s1 =	stileid.u32;
	s12 =	simm.s32 $0x14800  }
0x5: {  	s13 =	simm.s32 $0x15000;
	s14 =	simm.s32 $0x15800;
	s15 =	simm.s32 $0x16000  }
0x6: {  	s16 =	simm.s32 $0x2;
	s17 =	simm.s32 $0x1;
	s18 =	simm.s32 $0x16800  }
0x7: {  	s19 =	simm.s32 $0x3;
	s20 =	simm.s32 $0x0;
	s3 =	sand.u32 $0x1, s3  }
0x8: {  	[smem:$0x7FF] =	sst s2;
	s5 =	sshll.u32 s1, $0x9;
	s6 =	sshll.u32 s3, $0x8  }
0x9: {  	_ =	strace $0x80000047;
	s30 =	ssub.s32 $0x2, s3;
	s10 =	sor.u32 s6, s5  }
0xa: {  	s3 =	sadd.s32 $0x800, s4;
	s31 =	sshrl.u32 s30, $0x1;
	s8 =	sadd.s32 s10, s4  }
0xb: {  	s11 =	ssub.s32 s30, s31;
	s9 =	sadd.s32 s9, s10;
	s4 =	sadd.s32 $0x4800, s8  }
0xc: {  	s5 =	sadd.s32 $0x6800, s8;
	s6 =	sadd.s32 $0x8800, s8;
	s7 =	sadd.s32 $0xA800, s8  }
0xd: {  	s8 =	sadd.s32 $0xC800, s8;
	s10 =	smax.u32 s11, $0x1;
	s11 =	simm.s32 $0x14000  }
.LBB2_1:
0xe: {  	[tilespmem:s2], [sflag:$0x1] =	stream.linear.gather [hbm4b:s3+s2], $0x14000, $0x38;
	[tilespmem:$0x17000] =	vst v63  }
0xf: {  	_ = 	snop  }
0x10: {  	[tilespmem:s11], [sflag:$0x2] =	stream.linear.gather [hbm4b:s4+s2], $0x800, $0x38;
	[tilespmem:$0x17000] =	vst v63  }
0x11: {  	_ = 	snop  }
0x12: {  	[tilespmem:s12], [sflag:$0x2] =	stream.linear.gather [hbm4b:s5+s2], $0x800, $0x38;
	[tilespmem:$0x17000] =	vst v63  }
0x13: {  	_ = 	snop  }
0x14: {  	[tilespmem:s13], [sflag:$0x2] =	stream.linear.gather [hbm4b:s6+s2], $0x800, $0x38;
	[tilespmem:$0x17000] =	vst v63  }
0x15: {  	_ = 	snop  }
0x16: {  	[tilespmem:s14], [sflag:$0x2] =	stream.linear.gather [hbm4b:s7+s2], $0x800, $0x38;
	[tilespmem:$0x17000] =	vst v63  }
0x17: {  	_ = 	snop  }
0x18: {  	[tilespmem:s15], [sflag:$0x2] =	stream.linear.gather [hbm4b:s8+s2], $0x800, $0x38;
	[tilespmem:$0x17000] =	vst v63  }
0x19: {  	_ =	swait.ge [sflag:s16], $0x800  }
0x1a: {  	[sflag:s16] =	ssyncset.done $0x0  }
0x1b: {  	[sflag:s16] =	ssyncadd.s32 $0xFFFFF800  }
0x1c: {  	_ =	swait.ge [sflag:s16], $0x800  }
0x1d: {  	[sflag:s16] =	ssyncset.done $0x0  }
0x1e: {  	[sflag:s16] =	ssyncadd.s32 $0xFFFFF800  }
0x1f: {  	_ =	swait.ge [sflag:s16], $0x800  }
0x20: {  	[sflag:s16] =	ssyncset.done $0x0  }
0x21: {  	[sflag:s16] =	ssyncadd.s32 $0xFFFFF800  }
0x22: {  	_ =	swait.ge [sflag:s16], $0x800  }
0x23: {  	[sflag:s16] =	ssyncset.done $0x0  }
0x24: {  	[sflag:s16] =	ssyncadd.s32 $0xFFFFF800  }
0x25: {  	_ =	swait.ge [sflag:s16], $0x800  }
0x26: {  	[sflag:s16] =	ssyncset.done $0x0  }
0x27: {  	[sflag:s16] =	ssyncadd.s32 $0xFFFFF800  }
0x28: {  	_ =	swait.ge [sflag:s17], $0x14000  }
0x29: {  	[sflag:s17] =	ssyncset.done $0x0  }
0x2a: {  	s21 =	simm.s32 $0x15040;
	[sflag:s17] =	ssyncadd.s32 $0xFFFEC000  }
0x2b: {  	v0 =	vld [tilespmem:s21+$0xFFFFF830]  }
0x2c: {  	v1 =	vld [tilespmem:s21+$0xFFFFF030]  }
0x2d: {  	v2 =	vld [tilespmem:s21+$0x30]  }
0x2e: {  	v3 =	vld [tilespmem:s21+$0xFFFFF7C0]  }
0x2f: {  	v4 =	vld [tilespmem:s21+$0x830]  }
0x30: {  	v5 =	vld [tilespmem:s21+$0xFFFFF7D0]  }
0x31: {  	v6 =	vld [tilespmem:s21+$0x1030]  }
0x32: {  	v7 =	vld [tilespmem:s21+$0xFFFFF7E0]  }
0x33: {  	v8 =	vld [tilespmem:s21+$0xFFFFF7F0]  }
0x34: {  	v9 =	vld [tilespmem:s21+$0xFFFFF800]  }
0x35: {  	v10 =	vld [tilespmem:s21+$0xFFFFF810]  }
0x36: {  	v11 =	vld [tilespmem:s21+$0xFFFFF820]  }
0x37: {  	v12 =	vld [tilespmem:s21+$0xFFFFEFD0]  }
0x38: {  	v13 =	vld [tilespmem:s21+$0xFFFFEFE0]  }
0x39: {  	v14 =	vld [tilespmem:s21+$0xFFFFEFF0]  }
0x3a: {  	v15 =	vld [tilespmem:s21+$0xFFFFF000]  }
0x3b: {  	v16 =	vld [tilespmem:s21+$0xFFFFF010]  }
0x3c: {  	v17 =	vld [tilespmem:s21+$0xFFFFF020]  }
0x3d: {  	v18 =	vld [tilespmem:s21+$0xFFFFEFC0]  }
0x3e: {  	v19 =	vld [tilespmem:s21+$0xFFFFFFC0]  }
0x3f: {  	v20 =	vld [tilespmem:s21+$0xFFFFFFD0]  }
0x40: {  	v21 =	vld [tilespmem:s21+$0xFFFFFFE0]  }
0x41: {  	v22 =	vld [tilespmem:s21+$0xFFFFFFF0]  }
0x42: {  	v23 =	vld [tilespmem:s21+$0x0]  }
0x43: {  	v24 =	vld [tilespmem:s21+$0x10]  }
0x44: {  	v25 =	vld [tilespmem:s21+$0x20]  }
0x45: {  	v26 =	vld [tilespmem:s21+$0x7C0]  }
0x46: {  	v27 =	vld [tilespmem:s21+$0x7D0]  }
0x47: {  	v28 =	vld [tilespmem:s21+$0x7E0]  }
0x48: {  	v29 =	vld [tilespmem:s21+$0x7F0]  }
0x49: {  	v30 =	vld [tilespmem:s21+$0x800]  }
0x4a: {  	v31 =	vld [tilespmem:s21+$0x810]  }
0x4b: {  	v32 =	vld [tilespmem:s21+$0x820]  }
0x4c: {  	v33 =	vld [tilespmem:s21+$0xFC0]  }
0x4d: {  	v34 =	vld [tilespmem:s21+$0xFD0]  }
0x4e: {  	v35 =	vld [tilespmem:s21+$0xFE0]  }
0x4f: {  	v36 =	vld [tilespmem:s21+$0xFF0]  }
0x50: {  	v37 =	vld [tilespmem:s21+$0x1000]  }
0x51: {  	v38 =	vld [tilespmem:s21+$0x1010]  }
0x52: {  	v39 =	vld [tilespmem:s21+$0x1020]  }
0x53: {  	v1 =	vld.idx.msk [tilespmem:v1+s2+$0x0], $0xffff  }
0x54: {  	v18 =	vld.idx.msk [tilespmem:v18+s2+$0x0], $0xffff  }
0x55: {  	v12 =	vld.idx.msk [tilespmem:v12+s2+$0x0], $0xffff  }
0x56: {  	v0 =	vadd.s32 $0x4000, v0;
	v13 =	vld.idx.msk [tilespmem:v13+s2+$0x0], $0xffff  }
0x57: {  	v2 =	vadd.s32 $0x8000, v2;
	v14 =	vld.idx.msk [tilespmem:v14+s2+$0x0], $0xffff  }
0x58: {  	v4 =	vadd.s32 $0xC000, v4;
	v15 =	vld.idx.msk [tilespmem:v15+s2+$0x0], $0xffff  }
0x59: {  	v6 =	vadd.s32 $0x10000, v6;
	v16 =	vld.idx.msk [tilespmem:v16+s2+$0x0], $0xffff  }
0x5a: {  	v3 =	vadd.s32 $0x4000, v3;
	v17 =	vld.idx.msk [tilespmem:v17+s2+$0x0], $0xffff  }
0x5b: {  	v5 =	vadd.s32 $0x4000, v5;
	v0 =	vld.idx.msk [tilespmem:v0+s2+$0x0], $0xffff  }
0x5c: {  	v7 =	vadd.s32 $0x4000, v7;
	v2 =	vld.idx.msk [tilespmem:v2+s2+$0x0], $0xffff  }
0x5d: {  	v8 =	vadd.s32 $0x4000, v8;
	v4 =	vld.idx.msk [tilespmem:v4+s2+$0x0], $0xffff  }
0x5e: {  	v9 =	vadd.s32 $0x4000, v9;
	v6 =	vld.idx.msk [tilespmem:v6+s2+$0x0], $0xffff  }
0x5f: {  	v10 =	vadd.s32 $0x4000, v10;
	v3 =	vld.idx.msk [tilespmem:v3+s2+$0x0], $0xffff  }
0x60: {  	v11 =	vadd.s32 $0x4000, v11;
	v5 =	vld.idx.msk [tilespmem:v5+s2+$0x0], $0xffff  }
0x61: {  	v19 =	vadd.s32 $0x8000, v19;
	v7 =	vld.idx.msk [tilespmem:v7+s2+$0x0], $0xffff  }
0x62: {  	v20 =	vadd.s32 $0x8000, v20;
	v8 =	vld.idx.msk [tilespmem:v8+s2+$0x0], $0xffff  }
0x63: {  	v21 =	vadd.s32 $0x8000, v21;
	v9 =	vld.idx.msk [tilespmem:v9+s2+$0x0], $0xffff  }
0x64: {  	v22 =	vadd.s32 $0x8000, v22;
	v10 =	vld.idx.msk [tilespmem:v10+s2+$0x0], $0xffff  }
0x65: {  	v23 =	vadd.s32 $0x8000, v23;
	v11 =	vld.idx.msk [tilespmem:v11+s2+$0x0], $0xffff  }
0x66: {  	v24 =	vadd.s32 $0x8000, v24;
	v19 =	vld.idx.msk [tilespmem:v19+s2+$0x0], $0xffff  }
0x67: {  	v25 =	vadd.s32 $0x8000, v25;
	v20 =	vld.idx.msk [tilespmem:v20+s2+$0x0], $0xffff  }
0x68: {  	v26 =	vadd.s32 $0xC000, v26;
	v21 =	vld.idx.msk [tilespmem:v21+s2+$0x0], $0xffff  }
0x69: {  	v56 =	vadd.s32 $0xC000, v32;
	v22 =	vld.idx.msk [tilespmem:v22+s2+$0x0], $0xffff  }
0x6a: {  	v55 =	vadd.s32 $0xC000, v30;
	v23 =	vld.idx.msk [tilespmem:v23+s2+$0x0], $0xffff;
	v0 =	vadd.f32 v0, v1  }
0x6b: {  	v24 =	vld.idx.msk [tilespmem:v24+s2+$0x0], $0xffff;
	v1 =	vadd.s32 $0xC000, v27  }
0x6c: {  	v25 =	vld.idx.msk [tilespmem:v25+s2+$0x0], $0xffff;
	v5 =	vadd.f32 v5, v12;
	v12 =	vadd.s32 $0x10000, v34;
	v0 =	vadd.f32 v2, v0  }
0x6d: {  	v54 =	vadd.s32 $0xC000, v28;
	v26 =	vld.idx.msk [tilespmem:v26+s2+$0x0], $0xffff  }
0x6e: {  	v60 =	vld.idx.msk [tilespmem:v56+s2+$0x0], $0xffff;
	v2 =	vadd.s32 $0xC000, v29;
	v0 =	vadd.f32 v4, v0  }
0x6f: {  	v3 =	vadd.f32 v3, v18;
	v8 =	vadd.f32 v8, v14;
	v14 =	vld.idx.msk [tilespmem:v55+s2+$0x0], $0xffff;
	v4 =	vadd.s32 $0xC000, v31  }
0x70: {  	v1 =	vld.idx.msk [tilespmem:v1+s2+$0x0], $0xffff;
	v57 =	vadd.f32 v6, v0;
	v0 =	vadd.s32 $0x10000, v33  }
0x71: {  	v9 =	vadd.f32 v9, v15;
	v15 =	vadd.s32 $0x10000, v36;
	v58 =	vadd.f32 v19, v3;
	v3 =	vld.idx.msk [tilespmem:v12+s2+$0x0], $0xffff  }
0x72: {  	v7 =	vadd.f32 v7, v13;
	v13 =	vadd.s32 $0x10000, v35;
	v6 =	vld.idx.msk [tilespmem:v54+s2+$0x0], $0xffff  }
0x73: {  	v59 =	vadd.s32 $0x10000, v37;
	v10 =	vadd.f32 v10, v16;
	v11 =	vadd.f32 v11, v17;
	v2 =	vld.idx.msk [tilespmem:v2+s2+$0x0], $0xffff  }
0x74: {  	v63 =	vadd.s32 $0x10000, v39;
	v5 =	vadd.f32 v20, v5;
	v7 =	vadd.f32 v21, v7;
	v4 =	vld.idx.msk [tilespmem:v4+s2+$0x0], $0xffff  }
0x75: {  	v61 =	vadd.s32 $0x10000, v38;
	v22 =	vadd.f32 v22, v8;
	v23 =	vadd.f32 v23, v9;
	v62 =	vld.idx.msk [tilespmem:v0+s2+$0x0], $0xffff  }
0x76: {  	v10 =	vadd.f32 v24, v10;
	v8 =	vadd.f32 v1, v5;
	v1 =	vld.idx.msk [tilespmem:v15+s2+$0x0], $0xffff  }
0x77: {  	v11 =	vadd.f32 v25, v11;
	v12 =	vadd.f32 v26, v58;
	v0 =	vld.idx.msk [tilespmem:v13+s2+$0x0], $0xffff  }
0x78: {  	s22 =	sand.u32 $0x400, s2;
	s23 =	sand.u32 $0x380, s2;
	v9 =	vadd.f32 v6, v7;
	v6 =	vld.idx.msk [tilespmem:v59+s2+$0x0], $0xffff;
	v7 =	vadd.f32 v14, v23  }
0x79: {  	s24 =	simm.s32 $0x0;
	s25 =	sor.u32 s23, s22;
	v5 =	vadd.f32 v2, v22;
	v2 =	vadd.f32 v60, v11;
	v11 =	vld.idx.msk [tilespmem:v63+s2+$0x0], $0xffff  }
0x7a: {  	s22 =	simm.s32 $0x150C0;
	s23 =	simm.s32 $0x0;
	s21 =	simm.s32 $0x0;
	[tilespmem:s25+$0x16870] =	vst v57;
	v4 =	vadd.f32 v4, v10;
	v10 =	vld.idx.msk [tilespmem:v61+s2+$0x0], $0xffff;
	v12 =	vadd.f32 v62, v12  }
.LBB2_2:
0x7b: {  	v13 =	vld [tilespmem:s22+$0xFFFFF830];
	s21 =	sadd.s32 $0x8, s21;
	v3 =	vadd.f32 v3, v8  }
0x7c: {  	v0 =	vadd.f32 v0, v9;
	v8 =	vld [tilespmem:s22+$0xFFFFF030];
	p0 =	slt.u32 s21, $0x78;
	[tilespmem:s25+$0x16800] =	vst v12  }
0x7d: {  	v1 =	vadd.f32 v1, v5;
	v9 =	vld [tilespmem:s22+$0x30];
	[tilespmem:s25+$0x16810] =	vst v3  }
0x7e: {  	v3 =	vld [tilespmem:s22+$0xFFFFF7C0];
	[tilespmem:s25+$0x16820] =	vst v0;
	v0 =	vadd.f32 v6, v7  }
0x7f: {  	v5 =	vld [tilespmem:s22+$0x830];
	[tilespmem:s25+$0x16830] =	vst v1;
	v1 =	vadd.f32 v10, v4  }
0x80: {  	v4 =	vld [tilespmem:s22+$0xFFFFF7D0];
	v6 =	vadd.s32 $0x4000, v13;
	[tilespmem:s25+$0x16840] =	vst v0;
	v0 =	vadd.f32 v11, v2  }
0x81: {  	v2 =	vld [tilespmem:s22+$0x1030];
	[tilespmem:s25+$0x16850] =	vst v1  }
0x82: {  	v1 =	vld [tilespmem:s22+$0xFFFFF7E0];
	v7 =	vadd.s32 $0x8000, v9;
	[tilespmem:s25+$0x16860] =	vst v0  }
0x83: {  	v0 =	vadd.s32 $0x4000, v3;
	v3 =	vld [tilespmem:s22+$0xFFFFF7F0]  }
0x84: {  	v8 =	vld.idx.msk [tilespmem:v8+s2+$0x0], $0xffff;
	v5 =	vadd.s32 $0xC000, v5  }
0x85: {  	v4 =	vadd.s32 $0x4000, v4;
	v6 =	vld.idx.msk [tilespmem:v6+s2+$0x0], $0xffff  }
0x86: {  	v9 =	vld [tilespmem:s22+$0xFFFFF800];
	v2 =	vadd.s32 $0x10000, v2  }
0x87: {  	v1 =	vadd.s32 $0x4000, v1;
	v7 =	vld.idx.msk [tilespmem:v7+s2+$0x0], $0xffff  }
0x88: {  	v3 =	vadd.s32 $0x4000, v3;
	v10 =	vld [tilespmem:s22+$0xFFFFF810]  }
0x89: {  	v5 =	vld.idx.msk [tilespmem:v5+s2+$0x0], $0xffff  }
0x8a: {  	v11 =	vld [tilespmem:s22+$0xFFFFF820]  }
0x8b: {  	v6 =	vadd.f32 v6, v8;
	v9 =	vadd.s32 $0x4000, v9;
	v2 =	vld.idx.msk [tilespmem:v2+s2+$0x0], $0xffff  }
0x8c: {  	v8 =	vld [tilespmem:s22+$0xFFFFEFD0]  }
0x8d: {  	v6 =	vadd.f32 v7, v6;
	v12 =	vld [tilespmem:s22+$0xFFFFEFE0];
	v10 =	vadd.s32 $0x4000, v10  }
0x8e: {  	v7 =	vld [tilespmem:s22+$0xFFFFEFF0]  }
0x8f: {  	v5 =	vadd.f32 v5, v6;
	v13 =	vld [tilespmem:s22+$0xFFFFF000];
	v11 =	vadd.s32 $0x4000, v11  }
0x90: {  	s23 =	sadd.s32 $0x400, s23;
	s24 =	sadd.s32 $0x40, s24;
	v6 =	vld [tilespmem:s22+$0xFFFFF010]  }
0x91: {  	s26 =	sand.u32 $0x380, s24;
	s25 =	sand.u32 $0x400, s23;
	v2 =	vadd.f32 v2, v5;
	v14 =	vld [tilespmem:s22+$0xFFFFF020]  }
0x92: {  	s25 =	sor.u32 s26, s25;
	v5 =	vld [tilespmem:s22+$0xFFFFEFC0]  }
0x93: {  	v15 =	vld [tilespmem:s22+$0xFFFFFFC0];
	[tilespmem:s25+$0x16870] =	vst v2  }
0x94: {  	v2 =	vld [tilespmem:s22+$0xFFFFFFD0]  }
0x95: {  	v16 =	vld [tilespmem:s22+$0xFFFFFFE0]  }
0x96: {  	v17 =	vld [tilespmem:s22+$0xFFFFFFF0]  }
0x97: {  	v18 =	vld [tilespmem:s22+$0x0]  }
0x98: {  	v15 =	vadd.s32 $0x8000, v15;
	v19 =	vld [tilespmem:s22+$0x10]  }
0x99: {  	v2 =	vadd.s32 $0x8000, v2;
	v20 =	vld [tilespmem:s22+$0x20]  }
0x9a: {  	v21 =	vld [tilespmem:s22+$0x7C0];
	v16 =	vadd.s32 $0x8000, v16  }
0x9b: {  	v22 =	vld [tilespmem:s22+$0x7D0];
	v17 =	vadd.s32 $0x8000, v17  }
0x9c: {  	v23 =	vld [tilespmem:s22+$0x7E0];
	v18 =	vadd.s32 $0x8000, v18  }
0x9d: {  	v24 =	vld [tilespmem:s22+$0x7F0];
	v19 =	vadd.s32 $0x8000, v19  }
0x9e: {  	v25 =	vld [tilespmem:s22+$0x800];
	v20 =	vadd.s32 $0x8000, v20  }
0x9f: {  	v21 =	vadd.s32 $0xC000, v21;
	v26 =	vld [tilespmem:s22+$0x810]  }
0xa0: {  	v22 =	vadd.s32 $0xC000, v22;
	v27 =	vld [tilespmem:s22+$0x820]  }
0xa1: {  	v0 =	vld.idx.msk [tilespmem:v0+s2+$0x0], $0xffff;
	v23 =	vadd.s32 $0xC000, v23  }
0xa2: {  	v4 =	vld.idx.msk [tilespmem:v4+s2+$0x0], $0xffff;
	v24 =	vadd.s32 $0xC000, v24  }
0xa3: {  	v1 =	vld.idx.msk [tilespmem:v1+s2+$0x0], $0xffff;
	v25 =	vadd.s32 $0xC000, v25  }
0xa4: {  	v3 =	vld.idx.msk [tilespmem:v3+s2+$0x0], $0xffff;
	v26 =	vadd.s32 $0xC000, v26  }
0xa5: {  	v9 =	vld.idx.msk [tilespmem:v9+s2+$0x0], $0xffff;
	v27 =	vadd.s32 $0xC000, v27  }
0xa6: {  	v10 =	vld.idx.msk [tilespmem:v10+s2+$0x0], $0xffff  }
0xa7: {  	v11 =	vld.idx.msk [tilespmem:v11+s2+$0x0], $0xffff  }
0xa8: {  	v5 =	vld.idx.msk [tilespmem:v5+s2+$0x0], $0xffff  }
0xa9: {  	v8 =	vld.idx.msk [tilespmem:v8+s2+$0x0], $0xffff  }
0xaa: {  	v12 =	vld.idx.msk [tilespmem:v12+s2+$0x0], $0xffff  }
0xab: {  	v7 =	vld.idx.msk [tilespmem:v7+s2+$0x0], $0xffff  }
0xac: {  	v13 =	vld.idx.msk [tilespmem:v13+s2+$0x0], $0xffff  }
0xad: {  	v6 =	vld.idx.msk [tilespmem:v6+s2+$0x0], $0xffff  }
0xae: {  	v0 =	vadd.f32 v0, v5;
	v5 =	vld.idx.msk [tilespmem:v14+s2+$0x0], $0xffff  }
0xaf: {  	v4 =	vadd.f32 v4, v8;
	v14 =	vld [tilespmem:s22+$0xFC0]  }
0xb0: {  	v1 =	vadd.f32 v1, v12;
	v8 =	vld [tilespmem:s22+$0xFD0]  }
0xb1: {  	v3 =	vadd.f32 v3, v7;
	v12 =	vld [tilespmem:s22+$0xFE0]  }
0xb2: {  	v9 =	vadd.f32 v9, v13;
	v7 =	vld [tilespmem:s22+$0xFF0]  }
0xb3: {  	v6 =	vadd.f32 v10, v6;
	v13 =	vld [tilespmem:s22+$0x1000]  }
0xb4: {  	v5 =	vadd.f32 v11, v5;
	v10 =	vadd.s32 $0x10000, v14;
	v14 =	vld [tilespmem:s22+$0x1010]  }
0xb5: {  	v11 =	vadd.s32 $0x10000, v8;
	v8 =	vld [tilespmem:s22+$0x1020]  }
0xb6: {  	v15 =	vld.idx.msk [tilespmem:v15+s2+$0x0], $0xffff;
	v12 =	vadd.s32 $0x10000, v12  }
0xb7: {  	v2 =	vld.idx.msk [tilespmem:v2+s2+$0x0], $0xffff;
	v7 =	vadd.s32 $0x10000, v7  }
0xb8: {  	v16 =	vld.idx.msk [tilespmem:v16+s2+$0x0], $0xffff;
	v13 =	vadd.s32 $0x10000, v13  }
0xb9: {  	v17 =	vld.idx.msk [tilespmem:v17+s2+$0x0], $0xffff;
	v14 =	vadd.s32 $0x10000, v14  }
0xba: {  	v18 =	vld.idx.msk [tilespmem:v18+s2+$0x0], $0xffff;
	v28 =	vadd.s32 $0x10000, v8  }
0xbb: {  	v8 =	vld.idx.msk [tilespmem:v19+s2+$0x0], $0xffff  }
0xbc: {  	v0 =	vadd.f32 v15, v0;
	v15 =	vld.idx.msk [tilespmem:v20+s2+$0x0], $0xffff  }
0xbd: {  	v2 =	vadd.f32 v2, v4;
	v19 =	vld.idx.msk [tilespmem:v21+s2+$0x0], $0xffff  }
0xbe: {  	v1 =	vadd.f32 v16, v1;
	v4 =	vld.idx.msk [tilespmem:v22+s2+$0x0], $0xffff  }
0xbf: {  	v17 =	vadd.f32 v17, v3;
	v16 =	vld.idx.msk [tilespmem:v23+s2+$0x0], $0xffff  }
0xc0: {  	v18 =	vadd.f32 v18, v9;
	v20 =	vld.idx.msk [tilespmem:v24+s2+$0x0], $0xffff  }
0xc1: {  	v22 =	vadd.f32 v8, v6;
	v21 =	vld.idx.msk [tilespmem:v25+s2+$0x0], $0xffff  }
0xc2: {  	v15 =	vadd.f32 v15, v5;
	v23 =	vld.idx.msk [tilespmem:v26+s2+$0x0], $0xffff  }
0xc3: {  	v19 =	vadd.f32 v19, v0;
	v24 =	vld.idx.msk [tilespmem:v27+s2+$0x0], $0xffff  }
0xc4: {  	v8 =	vadd.f32 v4, v2;
	v25 =	vld.idx.msk [tilespmem:v10+s2+$0x0], $0xffff  }
0xc5: {  	v9 =	vadd.f32 v16, v1;
	v3 =	vld.idx.msk [tilespmem:v11+s2+$0x0], $0xffff  }
.Ltmp0:
0xc6: {  	v5 =	vadd.f32 v20, v17;
	v0 =	vld.idx.msk [tilespmem:v12+s2+$0x0], $0xffff;
	(pc) =	sbr.rel @p0 .LBB2_2-.Ltmp0, $4  }
0xc7: {  	v1 =	vld.idx.msk [tilespmem:v7+s2+$0x0], $0xffff;
	v7 =	vadd.f32 v21, v18  }
0xc8: {  	v4 =	vadd.f32 v23, v22;
	v6 =	vld.idx.msk [tilespmem:v13+s2+$0x0], $0xffff  }
0xc9: {  	v2 =	vadd.f32 v24, v15;
	v10 =	vld.idx.msk [tilespmem:v14+s2+$0x0], $0xffff  }
0xca: {  	s22 =	sadd.s32 $0x80, s22;
	v12 =	vadd.f32 v25, v19;
	v11 =	vld.idx.msk [tilespmem:v28+s2+$0x0], $0xffff  }
0xcb: {  	v3 =	vadd.f32 v3, v8  }
0xcc: {  	v0 =	vadd.f32 v0, v9;
	[tilespmem:s25+$0x16800] =	vst v12  }
0xcd: {  	v1 =	vadd.f32 v1, v5;
	[tilespmem:s25+$0x16810] =	vst v3  }
0xce: {  	[tilespmem:s25+$0x16820] =	vst v0;
	v61 =	vadd.f32 v6, v7  }
0xcf: {  	[tilespmem:s25+$0x16830] =	vst v1;
	v62 =	vadd.f32 v10, v4  }
0xd0: {  	s20 =	sadd.s32 $0x1, s20;
	[tilespmem:s25+$0x16840] =	vst v61;
	v63 =	vadd.f32 v11, v2  }
0xd1: {  	p0 =	sne.s32 s20, s10;
	[tilespmem:s25+$0x16850] =	vst v62  }
.Ltmp1:
0xd2: {  	[tilespmem:s25+$0x16860] =	vst v63;
	(pc) =	sbr.rel @p0 .LBB2_1-.Ltmp1, $4  }
0xd3: {  	[hbm4b:s9+s2] =	stream.linear.scatter [tilespmem:s18], [sflag:$0x3], $0x800, $0x38;
	[tilespmem:$0x17000] =	vst v63  }
0xd4: {  	_ =	swait.ge [sflag:s19], $0x800  }
0xd5: {  	[sflag:s19] =	ssyncset.done $0x0  }
0xd6: {  	[sflag:s19] =	ssyncadd.s32 $0xFFFFF800  }
0xd7: {  	_ =	sfence.sel $0x180000  }
0xd8: {  	[bflag:$0x0] =	sbarrier.arrive $0xFFFF  }
0xd9: {  	p0 =	sne.s32 s1, $0x0;
	_ =	strace $0x90000047  }
0xda: {  	s0 =	sadd.s32 @!p0 $0x100000, s0;
	[bflag:$0x2] =	sbarrier.arrive $0xFFFF  }
0xdb: {  	[sflag:s0] =	ssyncadd.tile.s32 @!p0 $0x1;
	_ =	shalt  }
.Lfunc_end2:
_tile_overlayer_lowered:
.L_overlay_start_2:
0xdc: {  	(tag) =	ssettag $0x2  }
0xdd: {  	s0 =	rddreg [dreg:$0x0];
	s2 =	stileid.u32  }
0xde: {  	s1 =	rddreg [dreg:$0x1];
	p0 =	sne.s32 s2, $0x0  }
0xdf: {  	s3 =	rddreg [dreg:$0x2];
	[bflag:$0x3] =	sbarrier.arrive $0xFFFF;
	s2 =	simm.s32 @!p0 $0x1C03  }
0xe0: {  	[timem:s3], [sflag:s2] =	dma.local @!p0 [hbm:s0], s1  }
0xe1: {  	s0 =	simm.s32 @!p0 $0x3  }
0xe2: {  	_ =	swait.ge @!p0 [sflag:s0], s1  }
0xe3: {  	s1 =	ssub.s32 @!p0 $0x0, s1;
	[sflag:s0] =	ssyncset.done @!p0 $0x0  }
0xe4: {  	[sflag:s0] =	ssyncadd.s32 @!p0 s1  }
0xe5: {  	[bflag:$0x3] =	sbarrier.arrive $0xFFFF  }
0xe6: {  	_ =	shalt  }

</sc_bundles>
